<compile_context>
chip_gen: v7x
topology: tpu7x:2x2x1
jax: 0.10.2.dev20260603
libtpu: 0.0.44.dev20260713+nightly
codegen_flags: <defaults>
</compile_context>

<pallas_src>
import functools

import jax
import jax.numpy as jnp
from jax import lax
from jax.experimental import pallas as pl
from jax.experimental.pallas import tpu as pltpu
from jax.experimental.pallas import tpu_sc as plsc


def _prep_body(v_in_ref, g_in_ref, n_in_ref, v_out_ref, g_out_ref, n_out_ref,
               w_in_ref, w_out_ref):
    w_in_ref[...] = g_in_ref[...] * v_in_ref[...] / n_in_ref[...]
    w_out_ref[...] = g_out_ref[...] * v_out_ref[...] / n_out_ref[...]


def _vq_body(z_ref, w_in_ref, b_in_ref, cb_ref, cbn_ref, ze_ref, idx_ref,
             ze_bf_ref):
    z = z_ref[0]
    z_e = jnp.dot(w_in_ref[...], z, preferred_element_type=jnp.float32)
    z_e = z_e + b_in_ref[...]
    ze_ref[0] = z_e
    ze_bf_ref[...] = z_e.astype(jnp.bfloat16)
    dotp = lax.dot_general(cb_ref[...], ze_bf_ref[...], (((1,), (0,)), ((), ())),
                           preferred_element_type=jnp.float32)
    enorm = jnp.sum(z_e * z_e, axis=0, keepdims=True)
    neg = (2.0 * dotp - enorm) - cbn_ref[...]
    KC = 2048
    nck = neg.shape[0] // KC
    best = None
    bidx = None
    for j in range(nck):
        blk = neg[j * KC:(j + 1) * KC]
        cmax = jnp.max(blk, axis=0, keepdims=True)
        carg = (jnp.argmax(blk, axis=0, keepdims=True).astype(jnp.int32)
                + j * KC)
        if j == 0:
            best = cmax.astype(jnp.bfloat16)
            bidx = carg
        else:
            take = cmax > best.astype(jnp.float32)
            bidx = jnp.where(take, carg, bidx)
            best = jnp.where(take, cmax.astype(jnp.bfloat16), best)
    idx_ref[0, 0] = bidx[0]


def _out_body(zq_ref, w_out_ref, b_out_ref, out_ref):
    zq = zq_ref[...]
    w = w_out_ref[...]
    out = lax.dot_general(w, zq, (((1,), (1,)), ((), ())),
                          preferred_element_type=jnp.float32)
    out_ref[0] = out + b_out_ref[...]


def _make_sc_gather(K, C, NC, NS):
    NW = NC * NS
    rows_per_w = K // NW
    chunk = 128
    n_chunks = rows_per_w // chunk
    mesh = plsc.VectorSubcoreMesh(core_axis_name="c", subcore_axis_name="s")

    @functools.partial(
        pl.kernel,
        mesh=mesh,
        out_type=jax.ShapeDtypeStruct((K, C), jnp.float32),
        scratch_types=[
            pltpu.VMEM((n_chunks, chunk), jnp.int32),
            pltpu.VMEM((rows_per_w, C), jnp.float32),
            pltpu.SemaphoreType.DMA,
        ],
    )
    def gather_k(idx_hbm, table_hbm, out_hbm, idx_v, rows_v, sem):
        wid = lax.axis_index("s") * NC + lax.axis_index("c")
        base = wid * rows_per_w
        pltpu.sync_copy(idx_hbm.at[wid], idx_v)
        copies = []
        for j in range(n_chunks):
            copies.append(pltpu.async_copy(
                table_hbm.at[idx_v.at[j]],
                rows_v.at[pl.ds(j * chunk, chunk)], sem))
        for cp in copies:
            cp.wait()
        pltpu.sync_copy(rows_v, out_hbm.at[pl.ds(base, rows_per_w)])

    return gather_k


def kernel(z, v_in, g_in, b_in, codebook, v_out, g_out, b_out):
    B, D, T = z.shape
    C, _ = v_in.shape
    K, _ = codebook.shape
    TB = 256
    NT = T // TB

    z = z.astype(jnp.float32)
    cb = codebook.astype(jnp.float32)

    n_in = jnp.sqrt(jnp.sum(v_in * v_in, axis=1, keepdims=True))
    n_out = jnp.sqrt(jnp.sum(v_out * v_out, axis=1, keepdims=True))
    cbn = jnp.sum(cb ** 2, axis=1)[:, None]

    w_in, w_out = pl.pallas_call(
        _prep_body,
        out_shape=(
            jax.ShapeDtypeStruct((C, D), jnp.float32),
            jax.ShapeDtypeStruct((D, C), jnp.float32),
        ),
    )(v_in, g_in.reshape(C, 1), n_in, v_out, g_out.reshape(D, 1), n_out)

    ze, idx3 = pl.pallas_call(
        _vq_body,
        grid=(B, NT),
        in_specs=[
            pl.BlockSpec((1, D, TB), lambda b, t: (b, 0, t)),
            pl.BlockSpec((C, D), lambda b, t: (0, 0)),
            pl.BlockSpec((C, 1), lambda b, t: (0, 0)),
            pl.BlockSpec((K, C), lambda b, t: (0, 0)),
            pl.BlockSpec((K, 1), lambda b, t: (0, 0)),
        ],
        out_specs=(
            pl.BlockSpec((1, C, TB), lambda b, t: (b, 0, t)),
            pl.BlockSpec((1, 1, TB), lambda b, t: (b * NT + t, 0, 0)),
        ),
        out_shape=(
            jax.ShapeDtypeStruct((B, C, T), jnp.float32),
            jax.ShapeDtypeStruct((B * NT, 1, TB), jnp.int32),
        ),
        scratch_shapes=[pltpu.VMEM((C, TB), jnp.bfloat16)],
    )(z, w_in, b_in.reshape(C, 1), cb.astype(jnp.bfloat16), cbn)

    indices = idx3.reshape(B, T)

    info = plsc.get_sparse_core_info()
    NC, NS = info.num_cores, info.num_subcores
    NW = NC * NS
    gather_k = _make_sc_gather(K, C, NC, NS)
    zq = gather_k(indices.reshape(NW, -1, 128), cb)

    z_q_out = pl.pallas_call(
        _out_body,
        grid=(B, NT),
        in_specs=[
            pl.BlockSpec((TB, C), lambda b, t: (b * NT + t, 0)),
            pl.BlockSpec((D, C), lambda b, t: (0, 0)),
            pl.BlockSpec((D, 1), lambda b, t: (0, 0)),
        ],
        out_specs=pl.BlockSpec((1, D, TB), lambda b, t: (b, 0, t)),
        out_shape=jax.ShapeDtypeStruct((B, D, T), jnp.float32),
    )(zq, w_out, b_out.reshape(D, 1))

    return (z_q_out, indices, ze)

# --- scband reference (transcript-rebuilt; emitter-appended) ---
"""Pipeline reference for scband-moss-audio-tokenizer-vector-quantize-46849503264983 (READ-ONLY COPY).

The authoritative reference and input builder live on the scoring server;
editing this copy changes nothing except your own understanding.
"""

import jax, jax.numpy as jnp
import numpy as np

B, D, T = 4, 1024, 2048
K, C = 8192, 256


def _wn(v, g):
    # weight-norm: w = g * v / ||v||, norm over input dims per output channel
    norm = jnp.sqrt(jnp.sum(v * v, axis=1, keepdims=True))
    return g[:, None] * v / norm


def setup_inputs(seed: int = 0) -> dict:
    key = jax.random.key(seed)
    ks = jax.random.split(key, 8)
    z = jax.random.normal(ks[0], (B, D, T), dtype=jnp.float32)
    # in_proj: weight-normalized 1x1 conv (C out, D in)
    v_in = jax.random.normal(ks[1], (C, D), dtype=jnp.float32) * 0.02
    g_in = jnp.ones((C,), dtype=jnp.float32)
    b_in = jnp.zeros((C,), dtype=jnp.float32)
    codebook = jax.random.normal(ks[2], (K, C), dtype=jnp.float32)
    # out_proj: weight-normalized 1x1 conv (D out, C in)
    v_out = jax.random.normal(ks[3], (D, C), dtype=jnp.float32) * 0.02
    g_out = jnp.ones((D,), dtype=jnp.float32)
    b_out = jnp.zeros((D,), dtype=jnp.float32)
    return {"z": z, "v_in": v_in, "g_in": g_in, "b_in": b_in,
            "codebook": codebook, "v_out": v_out, "g_out": g_out, "b_out": b_out}


def reference(z, v_in, g_in, b_in, codebook, v_out, g_out, b_out):
    z = z.astype(jnp.float32)
    W_in = _wn(v_in, g_in)
    # 1x1 conv == channelwise matmul: (B, C, T)
    z_e = jnp.einsum('cd,bdt->bct', W_in, z) + b_in[None, :, None]
    z_e = z_e.astype(jnp.float32)
    encodings = jnp.transpose(z_e, (0, 2, 1)).reshape(-1, z_e.shape[1])  # (B*T, C)
    cb = codebook.astype(jnp.float32)
    dist = (jnp.sum(encodings ** 2, axis=1, keepdims=True)
            - 2.0 * (encodings @ cb.T)
            + jnp.sum(cb ** 2, axis=1)[None, :])  # (B*T, K)
    indices = jnp.argmax(-dist, axis=1)
    indices = indices.reshape(z.shape[0], -1)  # (B, T)
    # decode_code: embedding lookup + transpose -> (B, C, T)
    z_q = jnp.transpose(jnp.take(cb, indices, axis=0), (0, 2, 1))
    W_out = _wn(v_out, g_out)
    z_q_out = jnp.einsum('dc,bct->bdt', W_out, z_q) + b_out[None, :, None]
    return (z_q_out.astype(jnp.float32), indices, z_e)

if __name__ == "__main__":
    import jax
    _d = setup_inputs()
    print(jax.jit(kernel)(*tuple(_d.values())))

</pallas_src>

<mosaic_0001>
#map = affine_map<(d0, d1) -> (0, 0, 0)>
#map1 = affine_map<(d0, d1) -> (0, 0)>
module attributes {stable_mosaic.version = 14 : i64} {
  func.func @gather_k(%arg0: i32, %arg1: i32, %arg2: memref<32x2x128xi32, #tpu.memory_space<hbm>>, %arg3: memref<8192x256xf32, #tpu.memory_space<hbm>>, %arg4: memref<8192x256xf32, #tpu.memory_space<hbm>>, %arg5: memref<2x128xi32, #tpu.memory_space<vmem>>, %arg6: memref<256x256xf32, #tpu.memory_space<vmem>>, %arg7: memref<!tpu.dma_semaphore, #tpu.memory_space<semaphore_mem>>) attributes {dimension_semantics = [#tpu.dimension_semantics<core_parallel>, #tpu.dimension_semantics<subcore_parallel>], iteration_bounds = array<i64: 2, 16>, scalar_prefetch = 0 : i64, scratch_operands = 3 : i64, tpu.core_type = #tpu.core_type<sc_vector_subcore>, window_params = [{transform_indices = #map}, {transform_indices = #map1}, {transform_indices = #map1}]} {
    %mul3A = arith.constant 2 : i32
    %mul3A_0 = arith.muli %arg1, %mul3A : i32
    %add3A = arith.addi %mul3A_0, %arg0 : i32
    %mul3A_1 = arith.constant 256 : i32
    %mul3A_2 = arith.muli %add3A, %mul3A_1 : i32
    "tpu.region"() ({
      %run_scoped3A = tpu.sem_alloc : memref<!tpu.dma_semaphore, #tpu.memory_space<semaphore_mem>>
      %dma_start3A_41 = arith.constant 0 : i32
      %dma_start3A_42 = arith.constant 0 : i32
      %dma_start3A_43 = tpu.memref_slice %arg2[%add3A, %dma_start3A_41, %dma_start3A_42] : memref<32x2x128xi32, #tpu.memory_space<hbm>> -> memref<1x2x128xi32, #tpu.memory_space<hbm>>
      %dma_start3A_44 = tpu.memref_squeeze %dma_start3A_43 : memref<1x2x128xi32, #tpu.memory_space<hbm>> -> memref<2x128xi32, #tpu.memory_space<hbm>>
      %dma_start3A_45 = arith.constant 0 : i32
      %dma_start3A_46 = arith.constant 0 : i32
      %dma_start3A_47 = tpu.memref_slice %arg2[%add3A, %dma_start3A_45, %dma_start3A_46] : memref<32x2x128xi32, #tpu.memory_space<hbm>> -> memref<1x2x128xi32, #tpu.memory_space<hbm>>
      %dma_start3A_48 = tpu.memref_squeeze %dma_start3A_47 : memref<1x2x128xi32, #tpu.memory_space<hbm>> -> memref<2x128xi32, #tpu.memory_space<hbm>>
      tpu.enqueue_dma source(%dma_start3A_48 : memref<2x128xi32, #tpu.memory_space<hbm>>) target(%arg5 : memref<2x128xi32, #tpu.memory_space<vmem>>) target_semaphore(%run_scoped3A : memref<!tpu.dma_semaphore, #tpu.memory_space<semaphore_mem>>)
      %dma_wait3A_49 = arith.constant 0 : i32
      %dma_wait3A_50 = arith.constant 0 : i32
      %dma_wait3A_51 = tpu.memref_slice %arg2[%add3A, %dma_wait3A_49, %dma_wait3A_50] : memref<32x2x128xi32, #tpu.memory_space<hbm>> -> memref<1x2x128xi32, #tpu.memory_space<hbm>>
      %dma_wait3A_52 = tpu.memref_squeeze %dma_wait3A_51 : memref<1x2x128xi32, #tpu.memory_space<hbm>> -> memref<2x128xi32, #tpu.memory_space<hbm>>
      %dma_wait3A_53 = arith.constant 0 : i32
      %dma_wait3A_54 = arith.constant 0 : i32
      %dma_wait3A_55 = tpu.memref_slice %arg2[%add3A, %dma_wait3A_53, %dma_wait3A_54] : memref<32x2x128xi32, #tpu.memory_space<hbm>> -> memref<1x2x128xi32, #tpu.memory_space<hbm>>
      %dma_wait3A_56 = tpu.memref_squeeze %dma_wait3A_55 : memref<1x2x128xi32, #tpu.memory_space<hbm>> -> memref<2x128xi32, #tpu.memory_space<hbm>>
      tpu.wait_dma2 semaphore(%run_scoped3A : memref<!tpu.dma_semaphore, #tpu.memory_space<semaphore_mem>>) src(%dma_wait3A_56 : memref<2x128xi32, #tpu.memory_space<hbm>>) dst(%arg5 : memref<2x128xi32, #tpu.memory_space<vmem>>)
      tpu.yield
    }) : () -> ()
    %dma_start3A = arith.constant 0 : i32
    %dma_start3A_3 = arith.constant 0 : i32
    %dma_start3A_4 = arith.constant 0 : i32
    %dma_start3A_5 = tpu.memref_slice %arg6[%dma_start3A_3, %dma_start3A_4] : memref<256x256xf32, #tpu.memory_space<vmem>> -> memref<128x256xf32, #tpu.memory_space<vmem>>
    %dma_start3A_6 = arith.constant 0 : i32
    %dma_start3A_7 = tpu.memref_slice %arg5[%dma_start3A, %dma_start3A_6] : memref<2x128xi32, #tpu.memory_space<vmem>> -> memref<1x128xi32, #tpu.memory_space<vmem>>
    %dma_start3A_8 = tpu.memref_squeeze %dma_start3A_7 : memref<1x128xi32, #tpu.memory_space<vmem>> -> memref<128xi32, #tpu.memory_space<vmem>>
    %dma_start3A_9 = arith.constant 0 : i32
    %dma_start3A_10 = arith.constant 0 : i32
    %dma_start3A_11 = tpu.memref_slice %arg3[%dma_start3A_9, %dma_start3A_10] : memref<8192x256xf32, #tpu.memory_space<hbm>> -> memref<8192x256xf32, #tpu.memory_space<hbm>>
    tpu.enqueue_indirect_dma source(%dma_start3A_11 : memref<8192x256xf32, #tpu.memory_space<hbm>>) target(%dma_start3A_5 : memref<128x256xf32, #tpu.memory_space<vmem>>) offsets(%dma_start3A_8 : memref<128xi32, #tpu.memory_space<vmem>>) semaphore(%arg7 : memref<!tpu.dma_semaphore, #tpu.memory_space<semaphore_mem>>)
    %dma_start3A_12 = arith.constant 1 : i32
    %dma_start3A_13 = arith.constant 128 : i32
    %dma_start3A_14 = arith.constant 0 : i32
    %dma_start3A_15 = tpu.memref_slice %arg6[%dma_start3A_13, %dma_start3A_14] : memref<256x256xf32, #tpu.memory_space<vmem>> -> memref<128x256xf32, #tpu.memory_space<vmem>>
    %dma_start3A_16 = arith.constant 0 : i32
    %dma_start3A_17 = tpu.memref_slice %arg5[%dma_start3A_12, %dma_start3A_16] : memref<2x128xi32, #tpu.memory_space<vmem>> -> memref<1x128xi32, #tpu.memory_space<vmem>>
    %dma_start3A_18 = tpu.memref_squeeze %dma_start3A_17 : memref<1x128xi32, #tpu.memory_space<vmem>> -> memref<128xi32, #tpu.memory_space<vmem>>
    %dma_start3A_19 = arith.constant 0 : i32
    %dma_start3A_20 = arith.constant 0 : i32
    %dma_start3A_21 = tpu.memref_slice %arg3[%dma_start3A_19, %dma_start3A_20] : memref<8192x256xf32, #tpu.memory_space<hbm>> -> memref<8192x256xf32, #tpu.memory_space<hbm>>
    tpu.enqueue_indirect_dma source(%dma_start3A_21 : memref<8192x256xf32, #tpu.memory_space<hbm>>) target(%dma_start3A_15 : memref<128x256xf32, #tpu.memory_space<vmem>>) offsets(%dma_start3A_18 : memref<128xi32, #tpu.memory_space<vmem>>) semaphore(%arg7 : memref<!tpu.dma_semaphore, #tpu.memory_space<semaphore_mem>>)
    %dma_wait3A = arith.constant 0 : i32
    %dma_wait3A_22 = arith.constant 0 : i32
    %dma_wait3A_23 = arith.constant 0 : i32
    %dma_wait3A_24 = tpu.memref_slice %arg6[%dma_wait3A_22, %dma_wait3A_23] : memref<256x256xf32, #tpu.memory_space<vmem>> -> memref<128x256xf32, #tpu.memory_space<vmem>>
    %dma_wait3A_25 = arith.constant 0 : i32
    %dma_wait3A_26 = tpu.memref_slice %arg5[%dma_wait3A, %dma_wait3A_25] : memref<2x128xi32, #tpu.memory_space<vmem>> -> memref<1x128xi32, #tpu.memory_space<vmem>>
    %dma_wait3A_27 = tpu.memref_squeeze %dma_wait3A_26 : memref<1x128xi32, #tpu.memory_space<vmem>> -> memref<128xi32, #tpu.memory_space<vmem>>
    %dma_wait3A_28 = arith.constant 0 : i32
    %dma_wait3A_29 = arith.constant 0 : i32
    %dma_wait3A_30 = tpu.memref_slice %arg3[%dma_wait3A_28, %dma_wait3A_29] : memref<8192x256xf32, #tpu.memory_space<hbm>> -> memref<8192x256xf32, #tpu.memory_space<hbm>>
    tpu.wait_indirect_dma semaphore(%arg7 : memref<!tpu.dma_semaphore, #tpu.memory_space<semaphore_mem>>) src(%dma_wait3A_30 : memref<8192x256xf32, #tpu.memory_space<hbm>>) dst(%dma_wait3A_24 : memref<128x256xf32, #tpu.memory_space<vmem>>)
    %dma_wait3A_31 = arith.constant 1 : i32
    %dma_wait3A_32 = arith.constant 128 : i32
    %dma_wait3A_33 = arith.constant 0 : i32
    %dma_wait3A_34 = tpu.memref_slice %arg6[%dma_wait3A_32, %dma_wait3A_33] : memref<256x256xf32, #tpu.memory_space<vmem>> -> memref<128x256xf32, #tpu.memory_space<vmem>>
    %dma_wait3A_35 = arith.constant 0 : i32
    %dma_wait3A_36 = tpu.memref_slice %arg5[%dma_wait3A_31, %dma_wait3A_35] : memref<2x128xi32, #tpu.memory_space<vmem>> -> memref<1x128xi32, #tpu.memory_space<vmem>>
    %dma_wait3A_37 = tpu.memref_squeeze %dma_wait3A_36 : memref<1x128xi32, #tpu.memory_space<vmem>> -> memref<128xi32, #tpu.memory_space<vmem>>
    %dma_wait3A_38 = arith.constant 0 : i32
    %dma_wait3A_39 = arith.constant 0 : i32
    %dma_wait3A_40 = tpu.memref_slice %arg3[%dma_wait3A_38, %dma_wait3A_39] : memref<8192x256xf32, #tpu.memory_space<hbm>> -> memref<8192x256xf32, #tpu.memory_space<hbm>>
    tpu.wait_indirect_dma semaphore(%arg7 : memref<!tpu.dma_semaphore, #tpu.memory_space<semaphore_mem>>) src(%dma_wait3A_40 : memref<8192x256xf32, #tpu.memory_space<hbm>>) dst(%dma_wait3A_34 : memref<128x256xf32, #tpu.memory_space<vmem>>)
    "tpu.region"() ({
      %run_scoped3A = tpu.sem_alloc : memref<!tpu.dma_semaphore, #tpu.memory_space<semaphore_mem>>
      %dma_start3A_41 = arith.constant 0 : i32
      %dma_start3A_42 = tpu.memref_slice %arg4[%mul3A_2, %dma_start3A_41] : memref<8192x256xf32, #tpu.memory_space<hbm>> -> memref<256x256xf32, #tpu.memory_space<hbm>>
      %dma_start3A_43 = arith.constant 0 : i32
      %dma_start3A_44 = tpu.memref_slice %arg4[%mul3A_2, %dma_start3A_43] : memref<8192x256xf32, #tpu.memory_space<hbm>> -> memref<256x256xf32, #tpu.memory_space<hbm>>
      tpu.enqueue_dma source(%arg6 : memref<256x256xf32, #tpu.memory_space<vmem>>) target(%dma_start3A_44 : memref<256x256xf32, #tpu.memory_space<hbm>>) target_semaphore(%run_scoped3A : memref<!tpu.dma_semaphore, #tpu.memory_space<semaphore_mem>>)
      %dma_wait3A_45 = arith.constant 0 : i32
      %dma_wait3A_46 = tpu.memref_slice %arg4[%mul3A_2, %dma_wait3A_45] : memref<8192x256xf32, #tpu.memory_space<hbm>> -> memref<256x256xf32, #tpu.memory_space<hbm>>
      %dma_wait3A_47 = arith.constant 0 : i32
      %dma_wait3A_48 = tpu.memref_slice %arg4[%mul3A_2, %dma_wait3A_47] : memref<8192x256xf32, #tpu.memory_space<hbm>> -> memref<256x256xf32, #tpu.memory_space<hbm>>
      tpu.wait_dma2 semaphore(%run_scoped3A : memref<!tpu.dma_semaphore, #tpu.memory_space<semaphore_mem>>) src(%arg6 : memref<256x256xf32, #tpu.memory_space<vmem>>) dst(%dma_wait3A_48 : memref<256x256xf32, #tpu.memory_space<hbm>>)
      tpu.yield
    }) : () -> ()
    return
  }
}

module attributes {stable_mosaic.version = 14 : i64} {
  func.func @_prep_body(%arg0: memref<256x1024xf32, #tpu.memory_space<vmem>>, %arg1: memref<256x1xf32, #tpu.memory_space<vmem>>, %arg2: memref<256x1xf32, #tpu.memory_space<vmem>>, %arg3: memref<1024x256xf32, #tpu.memory_space<vmem>>, %arg4: memref<1024x1xf32, #tpu.memory_space<vmem>>, %arg5: memref<1024x1xf32, #tpu.memory_space<vmem>>, %arg6: memref<256x1024xf32, #tpu.memory_space<vmem>>, %arg7: memref<1024x256xf32, #tpu.memory_space<vmem>>) attributes {dimension_semantics = [], scalar_prefetch = 0 : i64, scratch_operands = 0 : i64, tpu.core_type = #tpu.core_type<tc>} {
    %get3A = arith.constant 0 : index
    %get3A_0 = arith.constant 0 : index
    %get3A_1 = vector.load %arg1[%get3A, %get3A_0] : memref<256x1xf32, #tpu.memory_space<vmem>>, vector<256x1xf32>
    %get3A_2 = arith.constant 0 : index
    %get3A_3 = arith.constant 0 : index
    %get3A_4 = vector.load %arg0[%get3A_2, %get3A_3] : memref<256x1024xf32, #tpu.memory_space<vmem>>, vector<256x1024xf32>
    %mul3A = vector.broadcast %get3A_1 : vector<256x1xf32> to vector<256x1024xf32>
    %mul3A_5 = arith.mulf %mul3A, %get3A_4 : vector<256x1024xf32>
    %get3A_6 = arith.constant 0 : index
    %get3A_7 = arith.constant 0 : index
    %get3A_8 = vector.load %arg2[%get3A_6, %get3A_7] : memref<256x1xf32, #tpu.memory_space<vmem>>, vector<256x1xf32>
    %div3A = vector.broadcast %get3A_8 : vector<256x1xf32> to vector<256x1024xf32>
    %div3A_9 = arith.divf %mul3A_5, %div3A : vector<256x1024xf32>
    %swap3A = arith.constant 0 : index
    %swap3A_10 = arith.constant 0 : index
    %swap3A_11 = vector.load %arg6[%swap3A, %swap3A_10] : memref<256x1024xf32, #tpu.memory_space<vmem>>, vector<256x1024xf32>
    tpu.vector_store %arg6[%swap3A, %swap3A_10], %div3A_9 {strides = array<i32>} : memref<256x1024xf32, #tpu.memory_space<vmem>>, vector<256x1024xf32>,
    %get3A_12 = arith.constant 0 : index
    %get3A_13 = arith.constant 0 : index
    %get3A_14 = vector.load %arg4[%get3A_12, %get3A_13] : memref<1024x1xf32, #tpu.memory_space<vmem>>, vector<1024x1xf32>
    %get3A_15 = arith.constant 0 : index
    %get3A_16 = arith.constant 0 : index
    %get3A_17 = vector.load %arg3[%get3A_15, %get3A_16] : memref<1024x256xf32, #tpu.memory_space<vmem>>, vector<1024x256xf32>
    %mul3A_18 = vector.broadcast %get3A_14 : vector<1024x1xf32> to vector<1024x256xf32>
    %mul3A_19 = arith.mulf %mul3A_18, %get3A_17 : vector<1024x256xf32>
    %get3A_20 = arith.constant 0 : index
    %get3A_21 = arith.constant 0 : index
    %get3A_22 = vector.load %arg5[%get3A_20, %get3A_21] : memref<1024x1xf32, #tpu.memory_space<vmem>>, vector<1024x1xf32>
    %div3A_23 = vector.broadcast %get3A_22 : vector<1024x1xf32> to vector<1024x256xf32>
    %div3A_24 = arith.divf %mul3A_19, %div3A_23 : vector<1024x256xf32>
    %swap3A_25 = arith.constant 0 : index
    %swap3A_26 = arith.constant 0 : index
    %swap3A_27 = vector.load %arg7[%swap3A_25, %swap3A_26] : memref<1024x256xf32, #tpu.memory_space<vmem>>, vector<1024x256xf32>
    tpu.vector_store %arg7[%swap3A_25, %swap3A_26], %div3A_24 {strides = array<i32>} : memref<1024x256xf32, #tpu.memory_space<vmem>>, vector<1024x256xf32>,
    return
  }
}

module attributes {stable_mosaic.version = 14 : i64} {
  func.func @_vq_body(%arg0: i32, %arg1: i32, %arg2: memref<1x1024x256xf32, #tpu.memory_space<vmem>>, %arg3: memref<256x1024xf32, #tpu.memory_space<vmem>>, %arg4: memref<256x1xf32, #tpu.memory_space<vmem>>, %arg5: memref<8192x256xbf16, #tpu.memory_space<vmem>>, %arg6: memref<8192x1xf32, #tpu.memory_space<vmem>>, %arg7: memref<1x256x256xf32, #tpu.memory_space<vmem>>, %arg8: memref<1x1x256xi32, #tpu.memory_space<vmem>>, %arg9: memref<256x256xbf16, #tpu.memory_space<vmem>>) attributes {dimension_semantics = [#tpu.dimension_semantics<arbitrary>, #tpu.dimension_semantics<arbitrary>], iteration_bounds = array<i64: 4, 8>, scalar_prefetch = 0 : i64, scratch_operands = 1 : i64, tpu.core_type = #tpu.core_type<tc>, window_params = [{transform_indices = @transform_0, window_bounds = array<i64: 1, 1024, 256>}, {pipeline_mode = #tpu.pipeline_mode<synchronous>, transform_indices = @transform_1, window_bounds = array<i64: 256, 1024>}, {pipeline_mode = #tpu.pipeline_mode<synchronous>, transform_indices = @transform_2, window_bounds = array<i64: 256, 1>}, {pipeline_mode = #tpu.pipeline_mode<synchronous>, transform_indices = @transform_3, window_bounds = array<i64: 8192, 256>}, {pipeline_mode = #tpu.pipeline_mode<synchronous>, transform_indices = @transform_4, window_bounds = array<i64: 8192, 1>}, {transform_indices = @transform_5, window_bounds = array<i64: 1, 256, 256>}, {transform_indices = @transform_6, window_bounds = array<i64: 1, 1, 256>}]} {
    %get3A = arith.constant 0 : index
    %get3A_0 = arith.constant 0 : index
    %get3A_1 = arith.constant 0 : index
    %get3A_2 = vector.load %arg2[%get3A, %get3A_0, %get3A_1] : memref<1x1024x256xf32, #tpu.memory_space<vmem>>, vector<1x1024x256xf32>
    %get3A_3 = vector.shape_cast %get3A_2 : vector<1x1024x256xf32> to vector<1024x256xf32>
    %get3A_4 = arith.constant 0 : index
    %get3A_5 = arith.constant 0 : index
    %get3A_6 = vector.load %arg3[%get3A_4, %get3A_5] : memref<256x1024xf32, #tpu.memory_space<vmem>>, vector<256x1024xf32>
    %dot_general3A = arith.constant dense<0.000000e+00> : vector<256x256xf32>
    %dot_general3A_7 = tpu.matmul %get3A_6, %get3A_3, %dot_general3A {dimension_numbers = #tpu.dot_dimension_numbers<[1], [0], [0], [1], [0, 0, 1, 1], [], []>, transpose_lhs_hint = false} : vector<256x1024xf32>, vector<1024x256xf32>, vector<256x256xf32> -> vector<256x256xf32>
    %get3A_8 = arith.constant 0 : index
    %get3A_9 = arith.constant 0 : index
    %get3A_10 = vector.load %arg4[%get3A_8, %get3A_9] : memref<256x1xf32, #tpu.memory_space<vmem>>, vector<256x1xf32>
    %add3A = vector.broadcast %get3A_10 : vector<256x1xf32> to vector<256x256xf32>
    %add3A_11 = arith.addf %dot_general3A_7, %add3A : vector<256x256xf32>
    %swap3A = arith.constant 0 : index
    %swap3A_12 = arith.constant 0 : index
    %swap3A_13 = arith.constant 0 : index
    %swap3A_14 = vector.load %arg7[%swap3A, %swap3A_12, %swap3A_13] : memref<1x256x256xf32, #tpu.memory_space<vmem>>, vector<1x256x256xf32>
    %swap3A_15 = vector.shape_cast %swap3A_14 : vector<1x256x256xf32> to vector<256x256xf32>
    %swap3A_16 = vector.shape_cast %add3A_11 : vector<256x256xf32> to vector<1x256x256xf32>
    tpu.vector_store %arg7[%swap3A, %swap3A_12, %swap3A_13], %swap3A_16 {strides = array<i32>} : memref<1x256x256xf32, #tpu.memory_space<vmem>>, vector<1x256x256xf32>,
    %convert_element_type3A = arith.truncf %add3A_11 : vector<256x256xf32> to vector<256x256xbf16>
    %swap3A_17 = arith.constant 0 : index
    %swap3A_18 = arith.constant 0 : index
    %swap3A_19 = vector.load %arg9[%swap3A_17, %swap3A_18] : memref<256x256xbf16, #tpu.memory_space<vmem>>, vector<256x256xbf16>
    tpu.vector_store %arg9[%swap3A_17, %swap3A_18], %convert_element_type3A {strides = array<i32>} : memref<256x256xbf16, #tpu.memory_space<vmem>>, vector<256x256xbf16>,
    %get3A_20 = arith.constant 0 : index
    %get3A_21 = arith.constant 0 : index
    %get3A_22 = vector.load %arg5[%get3A_20, %get3A_21] : memref<8192x256xbf16, #tpu.memory_space<vmem>>, vector<8192x256xbf16>
    %get3A_23 = arith.constant 0 : index
    %get3A_24 = arith.constant 0 : index
    %get3A_25 = vector.load %arg9[%get3A_23, %get3A_24] : memref<256x256xbf16, #tpu.memory_space<vmem>>, vector<256x256xbf16>
    %dot_general3A_26 = arith.constant dense<0.000000e+00> : vector<8192x256xf32>
    %dot_general3A_27 = tpu.matmul %get3A_22, %get3A_25, %dot_general3A_26 {dimension_numbers = #tpu.dot_dimension_numbers<[1], [0], [0], [1], [0, 0, 1, 1], [], []>, transpose_lhs_hint = false} : vector<8192x256xbf16>, vector<256x256xbf16>, vector<8192x256xf32> -> vector<8192x256xf32>
    %mul3A = arith.mulf %add3A_11, %add3A_11 : vector<256x256xf32>
    %reduce_sum3A = arith.constant dense<0.000000e+00> : vector<256xf32>
    %reduce_sum3A_28 = vector.multi_reduction <add>, %mul3A, %reduce_sum3A [0] : vector<256x256xf32> to vector<256xf32>
    %broadcast_in_dim3A = vector.shape_cast %reduce_sum3A_28 : vector<256xf32> to vector<1x256xf32>
    %mul3A_29 = arith.constant 2.000000e+00 : f32
    %mul3A_30 = vector.broadcast %mul3A_29 : f32 to vector<8192x256xf32>
    %mul3A_31 = arith.mulf %mul3A_30, %dot_general3A_27 : vector<8192x256xf32>
    %sub3A = vector.broadcast %broadcast_in_dim3A : vector<1x256xf32> to vector<8192x256xf32>
    %sub3A_32 = arith.subf %mul3A_31, %sub3A : vector<8192x256xf32>
    %get3A_33 = arith.constant 0 : index
    %get3A_34 = arith.constant 0 : index
    %get3A_35 = vector.load %arg6[%get3A_33, %get3A_34] : memref<8192x1xf32, #tpu.memory_space<vmem>>, vector<8192x1xf32>
    %sub3A_36 = vector.broadcast %get3A_35 : vector<8192x1xf32> to vector<8192x256xf32>
    %sub3A_37 = arith.subf %sub3A_32, %sub3A_36 : vector<8192x256xf32>
    %slice3A = vector.extract_strided_slice %sub3A_37 {offsets = [0, 0], sizes = [2048, 256], strides = [1, 1]} : vector<8192x256xf32> to vector<2048x256xf32>
    %reduce_max3A = arith.constant dense<0xFF800000> : vector<256xf32>
    %reduce_max3A_38 = vector.multi_reduction <maximumf>, %slice3A, %reduce_max3A [0] : vector<2048x256xf32> to vector<256xf32>
    %broadcast_in_dim3A_39 = vector.shape_cast %reduce_max3A_38 : vector<256xf32> to vector<1x256xf32>
    %argmax3A = tpu.reduce_index %slice3A {axis = 0 : i32, kind = #tpu.reduction_kind<arg_max>} : vector<2048x256xf32> -> vector<256xi32>
    %broadcast_in_dim3A_40 = vector.shape_cast %argmax3A : vector<256xi32> to vector<1x256xi32>
    %add3A_41 = arith.constant 0 : i32
    %add3A_42 = vector.broadcast %add3A_41 : i32 to vector<1x256xi32>
    %add3A_43 = arith.addi %broadcast_in_dim3A_40, %add3A_42 : vector<1x256xi32>
    %convert_element_type3A_44 = arith.truncf %broadcast_in_dim3A_39 : vector<1x256xf32> to vector<1x256xbf16>
    %slice3A_45 = vector.extract_strided_slice %sub3A_37 {offsets = [2048, 0], sizes = [2048, 256], strides = [1, 1]} : vector<8192x256xf32> to vector<2048x256xf32>
    %reduce_max3A_46 = arith.constant dense<0xFF800000> : vector<256xf32>
    %reduce_max3A_47 = vector.multi_reduction <maximumf>, %slice3A_45, %reduce_max3A_46 [0] : vector<2048x256xf32> to vector<256xf32>
    %broadcast_in_dim3A_48 = vector.shape_cast %reduce_max3A_47 : vector<256xf32> to vector<1x256xf32>
    %argmax3A_49 = tpu.reduce_index %slice3A_45 {axis = 0 : i32, kind = #tpu.reduction_kind<arg_max>} : vector<2048x256xf32> -> vector<256xi32>
    %broadcast_in_dim3A_50 = vector.shape_cast %argmax3A_49 : vector<256xi32> to vector<1x256xi32>
    %add3A_51 = arith.constant 2048 : i32
    %add3A_52 = vector.broadcast %add3A_51 : i32 to vector<1x256xi32>
    %add3A_53 = arith.addi %broadcast_in_dim3A_50, %add3A_52 : vector<1x256xi32>
    %convert_element_type3A_54 = arith.extf %convert_element_type3A_44 : vector<1x256xbf16> to vector<1x256xf32>
    %gt3A = arith.cmpf ogt, %broadcast_in_dim3A_48, %convert_element_type3A_54 : vector<1x256xf32>
    %select_n3A = arith.select %gt3A, %add3A_53, %add3A_43 : vector<1x256xi1>, vector<1x256xi32>
    %convert_element_type3A_55 = arith.truncf %broadcast_in_dim3A_48 : vector<1x256xf32> to vector<1x256xbf16>
    %select_n3A_56 = arith.select %gt3A, %convert_element_type3A_55, %convert_element_type3A_44 : vector<1x256xi1>, vector<1x256xbf16>
    %slice3A_57 = vector.extract_strided_slice %sub3A_37 {offsets = [4096, 0], sizes = [2048, 256], strides = [1, 1]} : vector<8192x256xf32> to vector<2048x256xf32>
    %reduce_max3A_58 = arith.constant dense<0xFF800000> : vector<256xf32>
    %reduce_max3A_59 = vector.multi_reduction <maximumf>, %slice3A_57, %reduce_max3A_58 [0] : vector<2048x256xf32> to vector<256xf32>
    %broadcast_in_dim3A_60 = vector.shape_cast %reduce_max3A_59 : vector<256xf32> to vector<1x256xf32>
    %argmax3A_61 = tpu.reduce_index %slice3A_57 {axis = 0 : i32, kind = #tpu.reduction_kind<arg_max>} : vector<2048x256xf32> -> vector<256xi32>
    %broadcast_in_dim3A_62 = vector.shape_cast %argmax3A_61 : vector<256xi32> to vector<1x256xi32>
    %add3A_63 = arith.constant 4096 : i32
    %add3A_64 = vector.broadcast %add3A_63 : i32 to vector<1x256xi32>
    %add3A_65 = arith.addi %broadcast_in_dim3A_62, %add3A_64 : vector<1x256xi32>
    %convert_element_type3A_66 = arith.extf %select_n3A_56 : vector<1x256xbf16> to vector<1x256xf32>
    %gt3A_67 = arith.cmpf ogt, %broadcast_in_dim3A_60, %convert_element_type3A_66 : vector<1x256xf32>
    %select_n3A_68 = arith.select %gt3A_67, %add3A_65, %select_n3A : vector<1x256xi1>, vector<1x256xi32>
    %convert_element_type3A_69 = arith.truncf %broadcast_in_dim3A_60 : vector<1x256xf32> to vector<1x256xbf16>
    %select_n3A_70 = arith.select %gt3A_67, %convert_element_type3A_69, %select_n3A_56 : vector<1x256xi1>, vector<1x256xbf16>
    %slice3A_71 = vector.extract_strided_slice %sub3A_37 {offsets = [6144, 0], sizes = [2048, 256], strides = [1, 1]} : vector<8192x256xf32> to vector<2048x256xf32>
    %reduce_max3A_72 = arith.constant dense<0xFF800000> : vector<256xf32>
    %reduce_max3A_73 = vector.multi_reduction <maximumf>, %slice3A_71, %reduce_max3A_72 [0] : vector<2048x256xf32> to vector<256xf32>
    %broadcast_in_dim3A_74 = vector.shape_cast %reduce_max3A_73 : vector<256xf32> to vector<1x256xf32>
    %argmax3A_75 = tpu.reduce_index %slice3A_71 {axis = 0 : i32, kind = #tpu.reduction_kind<arg_max>} : vector<2048x256xf32> -> vector<256xi32>
    %broadcast_in_dim3A_76 = vector.shape_cast %argmax3A_75 : vector<256xi32> to vector<1x256xi32>
    %add3A_77 = arith.constant 6144 : i32
    %add3A_78 = vector.broadcast %add3A_77 : i32 to vector<1x256xi32>
    %add3A_79 = arith.addi %broadcast_in_dim3A_76, %add3A_78 : vector<1x256xi32>
    %convert_element_type3A_80 = arith.extf %select_n3A_70 : vector<1x256xbf16> to vector<1x256xf32>
    %gt3A_81 = arith.cmpf ogt, %broadcast_in_dim3A_74, %convert_element_type3A_80 : vector<1x256xf32>
    %select_n3A_82 = arith.select %gt3A_81, %add3A_79, %select_n3A_68 : vector<1x256xi1>, vector<1x256xi32>
    %squeeze3A = vector.shape_cast %select_n3A_82 : vector<1x256xi32> to vector<256xi32>
    %swap3A_83 = arith.constant 0 : index
    %swap3A_84 = arith.constant 0 : index
    %swap3A_85 = arith.constant 0 : index
    %swap3A_86 = vector.load %arg8[%swap3A_83, %swap3A_84, %swap3A_85] : memref<1x1x256xi32, #tpu.memory_space<vmem>>, vector<1x1x256xi32>
    %swap3A_87 = vector.shape_cast %swap3A_86 : vector<1x1x256xi32> to vector<256xi32>
    %swap3A_88 = vector.shape_cast %squeeze3A : vector<256xi32> to vector<1x1x256xi32>
    tpu.vector_store %arg8[%swap3A_83, %swap3A_84, %swap3A_85], %swap3A_88 {strides = array<i32>} : memref<1x1x256xi32, #tpu.memory_space<vmem>>, vector<1x1x256xi32>,
    return
  }
  func.func @transform_0(%arg0: i32, %arg1: i32) -> (i32, i32, i32) {
    %c0_i32 = arith.constant 0 : i32
    %c0_i32_0 = arith.constant 0 : i32
    return %arg0, %c0_i32, %arg1 : i32, i32, i32
  }
  func.func @transform_1(%arg0: i32, %arg1: i32) -> (i32, i32) {
    %c0_i32 = arith.constant 0 : i32
    %c0_i32_0 = arith.constant 0 : i32
    %c0_i32_1 = arith.constant 0 : i32
    return %c0_i32, %c0_i32_0 : i32, i32
  }
  func.func @transform_2(%arg0: i32, %arg1: i32) -> (i32, i32) {
    %c0_i32 = arith.constant 0 : i32
    %c0_i32_0 = arith.constant 0 : i32
    %c0_i32_1 = arith.constant 0 : i32
    return %c0_i32, %c0_i32_0 : i32, i32
  }
  func.func @transform_3(%arg0: i32, %arg1: i32) -> (i32, i32) {
    %c0_i32 = arith.constant 0 : i32
    %c0_i32_0 = arith.constant 0 : i32
    %c0_i32_1 = arith.constant 0 : i32
    return %c0_i32, %c0_i32_0 : i32, i32
  }
  func.func @transform_4(%arg0: i32, %arg1: i32) -> (i32, i32) {
    %c0_i32 = arith.constant 0 : i32
    %c0_i32_0 = arith.constant 0 : i32
    %c0_i32_1 = arith.constant 0 : i32
    return %c0_i32, %c0_i32_0 : i32, i32
  }
  func.func @transform_5(%arg0: i32, %arg1: i32) -> (i32, i32, i32) {
    %c0_i32 = arith.constant 0 : i32
    %c0_i32_0 = arith.constant 0 : i32
    return %arg0, %c0_i32, %arg1 : i32, i32, i32
  }
  func.func @transform_6(%arg0: i32, %arg1: i32) -> (i32, i32, i32) {
    %mul3A = arith.constant 8 : i32
    %mul3A_0 = arith.muli %arg0, %mul3A : i32
    %add3A = arith.addi %mul3A_0, %arg1 : i32
    %c0_i32 = arith.constant 0 : i32
    %c0_i32_1 = arith.constant 0 : i32
    %c0_i32_2 = arith.constant 0 : i32
    return %add3A, %c0_i32, %c0_i32_1 : i32, i32, i32
  }
}

module attributes {stable_mosaic.version = 14 : i64} {
  func.func @_out_body(%arg0: i32, %arg1: i32, %arg2: memref<256x256xf32, #tpu.memory_space<vmem>>, %arg3: memref<1024x256xf32, #tpu.memory_space<vmem>>, %arg4: memref<1024x1xf32, #tpu.memory_space<vmem>>, %arg5: memref<1x1024x256xf32, #tpu.memory_space<vmem>>) attributes {dimension_semantics = [#tpu.dimension_semantics<arbitrary>, #tpu.dimension_semantics<arbitrary>], iteration_bounds = array<i64: 4, 8>, scalar_prefetch = 0 : i64, scratch_operands = 0 : i64, tpu.core_type = #tpu.core_type<tc>, window_params = [{transform_indices = @transform_0, window_bounds = array<i64: 256, 256>}, {pipeline_mode = #tpu.pipeline_mode<synchronous>, transform_indices = @transform_1, window_bounds = array<i64: 1024, 256>}, {pipeline_mode = #tpu.pipeline_mode<synchronous>, transform_indices = @transform_2, window_bounds = array<i64: 1024, 1>}, {transform_indices = @transform_3, window_bounds = array<i64: 1, 1024, 256>}]} {
    %get3A = arith.constant 0 : index
    %get3A_0 = arith.constant 0 : index
    %get3A_1 = vector.load %arg2[%get3A, %get3A_0] : memref<256x256xf32, #tpu.memory_space<vmem>>, vector<256x256xf32>
    %get3A_2 = arith.constant 0 : index
    %get3A_3 = arith.constant 0 : index
    %get3A_4 = vector.load %arg3[%get3A_2, %get3A_3] : memref<1024x256xf32, #tpu.memory_space<vmem>>, vector<1024x256xf32>
    %dot_general3A = arith.constant dense<0.000000e+00> : vector<1024x256xf32>
    %dot_general3A_5 = tpu.matmul %get3A_4, %get3A_1, %dot_general3A {dimension_numbers = #tpu.dot_dimension_numbers<[1], [1], [0], [0], [0, 0, 1, 0], [], []>, transpose_lhs_hint = false} : vector<1024x256xf32>, vector<256x256xf32>, vector<1024x256xf32> -> vector<1024x256xf32>
    %get3A_6 = arith.constant 0 : index
    %get3A_7 = arith.constant 0 : index
    %get3A_8 = vector.load %arg4[%get3A_6, %get3A_7] : memref<1024x1xf32, #tpu.memory_space<vmem>>, vector<1024x1xf32>
    %add3A = vector.broadcast %get3A_8 : vector<1024x1xf32> to vector<1024x256xf32>
    %add3A_9 = arith.addf %dot_general3A_5, %add3A : vector<1024x256xf32>
    %swap3A = arith.constant 0 : index
    %swap3A_10 = arith.constant 0 : index
    %swap3A_11 = arith.constant 0 : index
    %swap3A_12 = vector.load %arg5[%swap3A, %swap3A_10, %swap3A_11] : memref<1x1024x256xf32, #tpu.memory_space<vmem>>, vector<1x1024x256xf32>
    %swap3A_13 = vector.shape_cast %swap3A_12 : vector<1x1024x256xf32> to vector<1024x256xf32>
    %swap3A_14 = vector.shape_cast %add3A_9 : vector<1024x256xf32> to vector<1x1024x256xf32>
    tpu.vector_store %arg5[%swap3A, %swap3A_10, %swap3A_11], %swap3A_14 {strides = array<i32>} : memref<1x1024x256xf32, #tpu.memory_space<vmem>>, vector<1x1024x256xf32>,
    return
  }
  func.func @transform_0(%arg0: i32, %arg1: i32) -> (i32, i32) {
    %mul3A = arith.constant 8 : i32
    %mul3A_0 = arith.muli %arg0, %mul3A : i32
    %add3A = arith.addi %mul3A_0, %arg1 : i32
    %c0_i32 = arith.constant 0 : i32
    %c0_i32_1 = arith.constant 0 : i32
    return %add3A, %c0_i32 : i32, i32
  }
  func.func @transform_1(%arg0: i32, %arg1: i32) -> (i32, i32) {
    %c0_i32 = arith.constant 0 : i32
    %c0_i32_0 = arith.constant 0 : i32
    %c0_i32_1 = arith.constant 0 : i32
    return %c0_i32, %c0_i32_0 : i32, i32
  }
  func.func @transform_2(%arg0: i32, %arg1: i32) -> (i32, i32) {
    %c0_i32 = arith.constant 0 : i32
    %c0_i32_0 = arith.constant 0 : i32
    %c0_i32_1 = arith.constant 0 : i32
    return %c0_i32, %c0_i32_0 : i32, i32
  }
  func.func @transform_3(%arg0: i32, %arg1: i32) -> (i32, i32, i32) {
    %c0_i32 = arith.constant 0 : i32
    %c0_i32_0 = arith.constant 0 : i32
    return %arg0, %c0_i32, %arg1 : i32, i32, i32
  }
}

</mosaic_0001>

<sc_bundles>
// kernel: kernel.6.cloned.1.call-start
scs
__scs_entry_jumppad:
0x0: {  	(pc) =	sbr.rel $0x88, $3  }
0x1: {  	(tag) =	ssettag $0x0;
	lr =	simm.s32 $0x1  }
0x2: {  	[smem:$0x3F99] =	sst lr;
	_ =	strace $0xD0000000  }
0x3: {  	_ = 	snop  }
0x4: {  	_ = 	snop  }
0x5: {  	_ = 	snop  }
0x6: {  	_ = 	snop  }
0x7: {  	_ = 	snop  }
__scs_overlays_trampoline_lowered:
0x8: {  	[smem:$0x3FA8] =	sst s0  }
0x9: {  	[smem:$0x3FA9] =	sst s1  }
0xa: {  	[smem:$0x3FAA] =	sst s2  }
0xb: {  	[smem:$0x3FAB] =	sst s3  }
0xc: {  	[smem:$0x3FAC] =	sst s4  }
0xd: {  	[smem:$0x3FAD] =	sst s5  }
0xe: {  	[smem:$0x3FAE] =	sst s6  }
0xf: {  	[smem:$0x3FAF] =	sst s7  }
0x10: {  	[smem:$0x3FB0] =	sst s8  }
0x11: {  	[smem:$0x3FB1] =	sst s9;
	s0 =	simm.s32 @!p0 $0x0  }
0x12: {  	s1 =	sld [smem:$0x3F97];
	s0 =	simm.s32 @p0 $0x1  }
0x13: {  	[smem:$0x3FB2] =	sst s0;
	s0 =	simm.s32 @!p1 $0x0  }
0x14: {  	s2 =	sld [smem:$0x3F96];
	s0 =	simm.s32 @p1 $0x1  }
0x15: {  	[smem:$0x3FB3] =	sst s0;
	s0 =	simm.s32 @!p2 $0x0  }
0x16: {  	s3 =	sld [smem:$0x3FDB];
	s0 =	simm.s32 @p2 $0x1  }
0x17: {  	s4 =	simm.s32 $0x1BF5;
	[smem:$0x3FB5] =	sst s0  }
0x18: {  	s0 =	sld [smem:$0x3F98];
	_ =	swait.ge [sflag:s4], $0x0  }
0x19: {  	s7 =	sld [smem:$0x3F99]  }
0x1a: {  	s8 =	sadd.s32 $0xFFFFE003, lr  }
0x1b: {  	s9 =	sadd.s32 $0xFFFFFEF7, lr;
	s5 =	simm.s32 $0xFFFFFFFF;
	p2 =	slt.u32 s8, $0xFFFFF086  }
0x1c: {  	p1 =	slt.u32 s9, $0xF7A;
	s5 =	simm.s32 @!p2 $0x0  }
0x1d: {  	s5 =	simm.s32 @p1 $0x1;
	p0 =	seq.s32 s7, s2  }
0x1e: {  	s7 =	smul.u32 @!p0 $0xF7A, s2;
	p2 =	seq.s32 @!p0 s5, $0x0  }
0x1f: {  	s9 =	smul.u32 $0xF7A, s1;
	s8 =	simm.s32 @!p0 $0x1BF5;
	p2 =	por !p2, p0  }
0x20: {  	[sflag:s8] =	ssyncset.s32 @!p0 $0xFFFFF086;
	s6 =	sadd.s32 @!p0 s3, s7;
	s7 =	simm.s32 @!p0 $0x108  }
0x21: {  	s3 =	sadd.s32 s3, s9;
	s6 =	sadd.s32 @!p0 $0x88, s6;
	s7 =	simm.s32 @p2 $0x1082  }
0x22: {  	[simem:s7], [sflag:s8] =	dma.local @!p0 [hbm:s6], $0xF7A  }
0x23: {  	s9 =	sor.u32 $0xD0000000, s2;
	s6 =	simm.s32 $0x108;
	_ =	swait.ge @!p0 [sflag:s8], $0x0  }
0x24: {  	s3 =	sadd.s32 $0x88, s3;
	s6 =	simm.s32 @!p1 $0x1082;
	[sflag:s4] =	ssyncset.s32 $0xFFFFF086  }
0x25: {  	[simem:s6], [sflag:s4] =	dma.local [hbm:s3], $0xF7A  }
0x26: {  	[smem:$0x3F99] =	sst s1;
	(tag) =	ssettag s2;
	_ =	strace s9  }
0x27: {  	s1 =	sld [smem:$0x3FA9]  }
0x28: {  	s2 =	sld [smem:$0x3FAA]  }
0x29: {  	s4 =	sld [smem:$0x3FAC]  }
0x2a: {  	p0 =	seq.s32 s5, $0x0;
	s5 =	sld [smem:$0x3FAD]  }
0x2b: {  	s6 =	sld [smem:$0x3FAE]  }
0x2c: {  	s7 =	sld [smem:$0x3FAF]  }
0x2d: {  	s3 =	simm.s32 $0x108;
	s8 =	sld [smem:$0x3FB0]  }
0x2e: {  	s3 =	simm.s32 @!p0 $0x1082;
	s9 =	sld [smem:$0x3FB1]  }
0x2f: {  	lr =	sadd.s32 s0, s3;
	s0 =	sld [smem:$0x3FA8]  }
0x30: {  	s3 =	sld [smem:$0x3FAB]  }
0x31: {  	[smem:$0x3FB4] =	sst s10  }
0x32: {  	s10 =	sld [smem:$0x3FB2];
	_ =	sdelay $0x3  }
0x33: {  	p0 =	seq.s32 s10, $0x1;
	s10 =	sld [smem:$0x3FB4];
	_ =	sdelay $0x3  }
0x34: {  	[smem:$0x3FB4] =	sst s10  }
0x35: {  	s10 =	sld [smem:$0x3FB3];
	_ =	sdelay $0x3  }
0x36: {  	p1 =	seq.s32 s10, $0x1;
	s10 =	sld [smem:$0x3FB4];
	_ =	sdelay $0x3  }
0x37: {  	[smem:$0x3FB4] =	sst s10  }
0x38: {  	s10 =	sld [smem:$0x3FB5]  }
0x39: {  	_ = 	snop;
	(pc) =	sbr.ind lr, $3  }
0x3a: {  	_ = 	snop  }
0x3b: {  	_ = 	snop  }
0x3c: {  	p2 =	seq.s32 s10, $0x1;
	s10 =	sld [smem:$0x3FB4]  }
0x3d: {  	_ =	shalt  }
0x3e: {  	_ =	shalt  }
0x3f: {  	_ =	shalt  }
0x40: {  	_ =	shalt  }
0x41: {  	_ =	shalt  }
0x42: {  	_ =	shalt  }
0x43: {  	_ =	shalt  }
0x44: {  	_ =	shalt  }
0x45: {  	_ =	shalt  }
0x46: {  	_ =	shalt  }
0x47: {  	_ =	shalt  }
0x48: {  	_ =	shalt  }
0x49: {  	_ =	shalt  }
0x4a: {  	_ =	shalt  }
0x4b: {  	_ =	shalt  }
0x4c: {  	_ =	shalt  }
0x4d: {  	_ =	shalt  }
0x4e: {  	_ =	shalt  }
0x4f: {  	_ =	shalt  }
0x50: {  	_ =	shalt  }
0x51: {  	_ =	shalt  }
0x52: {  	_ =	shalt  }
0x53: {  	_ =	shalt  }
0x54: {  	_ =	shalt  }
0x55: {  	_ =	shalt  }
0x56: {  	_ =	shalt  }
0x57: {  	_ =	shalt  }
0x58: {  	_ =	shalt  }
0x59: {  	_ =	shalt  }
0x5a: {  	_ =	shalt  }
0x5b: {  	_ =	shalt  }
0x5c: {  	_ =	shalt  }
0x5d: {  	_ =	shalt  }
0x5e: {  	_ =	shalt  }
0x5f: {  	_ =	shalt  }
0x60: {  	_ =	shalt  }
0x61: {  	_ =	shalt  }
0x62: {  	_ =	shalt  }
0x63: {  	_ =	shalt  }
0x64: {  	_ =	shalt  }
0x65: {  	_ =	shalt  }
0x66: {  	_ =	shalt  }
0x67: {  	_ =	shalt  }
0x68: {  	_ =	shalt  }
0x69: {  	_ =	shalt  }
0x6a: {  	_ =	shalt  }
0x6b: {  	_ =	shalt  }
0x6c: {  	_ =	shalt  }
0x6d: {  	_ =	shalt  }
0x6e: {  	_ =	shalt  }
0x6f: {  	_ =	shalt  }
0x70: {  	_ =	shalt  }
0x71: {  	_ =	shalt  }
0x72: {  	_ =	shalt  }
0x73: {  	_ =	shalt  }
0x74: {  	_ =	shalt  }
0x75: {  	_ =	shalt  }
0x76: {  	_ =	shalt  }
0x77: {  	_ =	shalt  }
0x78: {  	_ =	shalt  }
0x79: {  	_ =	shalt  }
0x7a: {  	_ =	shalt  }
0x7b: {  	_ =	shalt  }
0x7c: {  	_ =	shalt  }
0x7d: {  	_ =	shalt  }
0x7e: {  	_ =	shalt  }
0x7f: {  	_ =	shalt  }
0x80: {  	_ =	shalt  }
0x81: {  	_ =	shalt  }
0x82: {  	_ =	shalt  }
0x83: {  	_ =	shalt  }
0x84: {  	_ =	shalt  }
0x85: {  	_ =	shalt  }
0x86: {  	_ =	shalt  }
0x87: {  	_ =	shalt  }
.Lfunc_end0:
.L_simem_size_0:
called_computation_lowered:
.L_overlay_start_0:
0x88: {  	s2 =	sld [smem:$0x3FD9]  }
0x89: {  	s3 =	sld [smem:$0x3FFE];
	_ =	sdelay $0x1  }
0x8a: {  	s1 =	srdreg.scid  }
0x8b: {  	s0 =	sand.u32 $0x1, s1  }
0x8c: {  	s14 =	sshll.u32 s0, $0xA;
	s2 =	sadd.s32 s3, s2  }
0x8d: {  	s2 =	sadd.s32 s2, s14  }
0x8e: {  	[smem:$0x3FC0] =	sst s2  }
0x8f: {  	_ = 	snop  }
0x90: {  	s2 =	sld [smem:$0x3FD0];
	_ =	sdelay $0x2  }
0x91: {  	s4 =	simm.s32 $0xA;
	s5 =	simm.s32 $0x10;
	s15 =	sld [smem:$0x3FC5]  }
0x92: {  	[smem:s5], [sflag:s4] =	dma.local [hbm:s2], $0x1  }
0x93: {  	_ =	swait.eq [sflag:s4], $0x1  }
0x94: {  	[sflag:s4] =	ssyncset.done $0x0  }
0x95: {  	[sflag:s4] =	ssyncadd.s32 $0xFFFFFFFF  }
0x96: {  	s16 =	sld [smem:$0x10];
	(tm) =	ssettm $0x1  }
0x97: {  	s17 =	sld [smem:$0x3FFB];
	_ =	sdelay $0x3  }
0x98: {  	_ =	strace s17  }
0x99: {  	s4 =	sld [smem:$0x3FFC];
	_ =	sdelay $0x3  }
0x9a: {  	_ =	strace s4  }
0x9b: {  	s4 =	sld [smem:$0x3FFD];
	_ =	sdelay $0x3  }
0x9c: {  	_ =	strace s4  }
0x9d: {  	_ =	strace $0x8FFFFFFF  }
0x9e: {  	s18 =	sld [smem:$0x3FDB];
	_ =	sdelay $0x1  }
0x9f: {  	s19 =	simm.s32 $_scs_section_size  }
0xa0: {  	s6 =	simm.s32 $_size__tile_overlayer_lowered;
	s7 =	simm.s32 $_tile_overlayer_lowered  }
0xa1: {  	s22 =	simm.s32 $0x1BFF;
	s21 =	sshll.u32 s7, $0x1;
	s4 =	sadd.s32 s19, s18  }
0xa2: {  	s8 =	simm.s32 $0x0;
	s20 =	sshll.u32 s6, $0x1;
	s6 =	sadd.s32 s21, s4  }
0xa3: {  	[timem:s8], [sflag:s22] =	dma.local [hbm:s6], s20  }
0xa4: {  	_ =	swait.ge [sflag:s22], s20  }
0xa5: {  	s5 =	ssub.s32 $0x0, s20;
	[sflag:s22] =	ssyncset.done $0x0  }
0xa6: {  	[sflag:s22] =	ssyncadd.s32 s5;
	_ =	sdelay $0x1  }
0xa7: {  	s23 =	simm.s32 $0x1B8B  }
0xa8: {  	_ =	swait.ge [sflag:s23], $0x1  }
0xa9: {  	[sflag:s23] =	ssyncset.done $0x0  }
0xaa: {  	s25 =	simm.s32 $0x1B8E;
	s24 =	sld [smem:$0x3FFE];
	[sflag:s23] =	ssyncadd.s32 $0xFFFFFFFF  }
0xab: {  	s26 =	simm.s32 $execute0_lowered;
	[smem:$0x3FD2] =	sst s25  }
0xac: {  	s6 =	sshll.u32 s26, $0x1;
	_ =	strace $0x80000046;
	[dreg:$0x1] =	wrdreg $0xFFFFFFFF  }
0xad: {  	s28 =	simm.s32 $_size_execute0_lowered;
	s4 =	sadd.s32 s4, s6;
	[dreg:$0x0] =	wrdreg $0x0  }
0xae: {  	s6 =	sshll.u32 s28, $0x1;
	[dreg:$0x2] =	wrdreg s4  }
0xaf: {  	[dreg:$0x3] =	wrdreg s6  }
0xb0: {  	[dreg:$0x4] =	wrdreg $0xC0  }
0xb1: {  	_ =	task [dreg:s8], $0x5FFFF  }
0xb2: {  	[dreg:$0x1] =	wrdreg $0xFFFFFFFF  }
0xb3: {  	[dreg:$0x0] =	wrdreg $0x60  }
0xb4: {  	[dreg:$0x2] =	wrdreg s24  }
0xb5: {  	[dreg:$0x3] =	wrdreg s15  }
0xb6: {  	[dreg:$0x4] =	wrdreg s16  }
0xb7: {  	[dreg:$0x5] =	wrdreg $0x9  }
0xb8: {  	_ =	task.clear_ibuf [dreg:s8], $0x6FFFF;
	_ =	strace $0x90000046  }
0xb9: {  	s29 =	simm.s32 $0x9;
	_ =	strace $0x80000048  }
0xba: {  	_ =	swait.ge [sflag:s29], $0x1  }
0xbb: {  	[sflag:s29] =	ssyncadd.s32 $0xFFFFFFFF  }
0xbc: {  	_ =	strace $0x90000048  }
0xbd: {  	_ =	sfence  }
0xbe: {  	s30 =	sld [smem:$0x0];
	_ =	sdelay $0x2  }
0xbf: {  	s31 =	sshll.u32 s1, $0xD;
	s1 =	sshrl.u32 s1, $0x2  }
0xc0: {  	s3 =	sand.u32 $0x4000, s31;
	s1 =	sadd.s32 s1, s30  }
0xc1: {  	s0 =	sor.u32 s3, s0;
	s1 =	sshll.u32 s1, $0x11  }
0xc2: {  	s0 =	sor.u32 s1, s0  }
0xc3: {  	s0 =	sadd.s32 $0x8F2B, s0  }
0xc4: {  	[sflag:s0] =	ssyncadd.remote.s32 $0x1  }
0xc5: {  	_ =	sfence.sel $0xFFFF  }
0xc6: {  	[dreg:$0x0] =	wrdreg $0xFFFFFFFF;
	(pc) =	sbr.abs _section_cstart, $3  }
0xc7: {  	[dreg:$0x1] =	wrdreg $0xFFFFFFFF  }
0xc8: {  	_ =	task.clear_ibuf [dreg:s8], $0x2FFFF;
	_ =	strace $0x9FFFFFFF  }
0xc9: {  	(tm) =	ssettm $0x7FFFFFFF  }
tec
execute0_lowered:
.L_overlay_start_1:
0x0: {  	(tag) =	ssettag $0x1  }
0x1: {  	s1 =	rddreg [dreg:$0x0]  }
0x2: {  	s3 =	srdreg.scid;
	s2 =	rddreg [dreg:$0x1]  }
0x3: {  	s0 =	stileid.u32;
	s5 =	rddreg [dreg:$0x2]  }
0x4: {  	s19 =	simm.s32 $0x900;
	s20 =	simm.s32 $0x1100;
	s21 =	simm.s32 $0x1900  }
0x5: {  	s23 =	simm.s32 $0x2100;
	s24 =	simm.s32 $0x2900;
	s25 =	simm.s32 $0x3100  }
0x6: {  	s26 =	simm.s32 $0x3900;
	s8 =	simm.s32 $0x4900;
	s9 =	simm.s32 $0x5100  }
0x7: {  	s10 =	simm.s32 $0x5900;
	s11 =	simm.s32 $0x6100;
	s12 =	simm.s32 $0x6900  }
0x8: {  	s13 =	simm.s32 $0x7100;
	s4 =	sand.u32 $0x1, s3;
	s3 =	simm.s32 $0x0  }
0x9: {  	s14 =	simm.s32 $0x7900;
	s15 =	simm.s32 $0x8100;
	[smem:$0x7FF] =	sst s3  }
0xa: {  	s16 =	simm.s32 $0x8900;
	_ =	strace $0x80000047;
	[dreg:$0x6] =	wrdreg s19  }
0xb: {  	s17 =	simm.s32 $0x9100;
	s28 =	simm.s32 $0xE100;
	[dreg:$0x7] =	wrdreg s20  }
0xc: {  	s29 =	simm.s32 $0xE900;
	s30 =	simm.s32 $0xF100;
	[dreg:$0x8] =	wrdreg s21  }
0xd: {  	s31 =	simm.s32 $0xF900;
	s6 =	sshll.u32 s0, $0x9;
	[dreg:$0x9] =	wrdreg s23  }
0xe: {  	s7 =	sshll.u32 s4, $0x8;
	s4 =	ssub.s32 $0x2, s4;
	[dreg:$0xa] =	wrdreg s24  }
0xf: {  	s6 =	sor.u32 s7, s6;
	s22 =	sshrl.u32 s4, $0x1;
	[dreg:$0xb] =	wrdreg s25  }
0x10: {  	[dreg:$0xc] =	wrdreg s26;
	s19 =	simm.s32 $0xA100;
	s20 =	simm.s32 $0xA900  }
0x11: {  	s21 =	simm.s32 $0xB100;
	s23 =	simm.s32 $0xC100;
	s24 =	simm.s32 $0xC900  }
0x12: {  	s25 =	simm.s32 $0xD100;
	s26 =	simm.s32 $0xD900;
	s7 =	sshrl.u32 s6, $0x3  }
0x13: {  	s6 =	sshll.u32 s6, $0x5;
	s4 =	ssub.s32 s4, s22;
	s22 =	simm.s32 $0xB900  }
0x14: {  	v2 =	vlaneseq.u32;
	s1 =	sadd.s32 s1, s7;
	s18 =	sadd.s32 s5, s6;
	s4 =	smax.u32 s4, $0x1  }
0x15: {  	vm0 =	vmmov $0xffff;
	v1 =	vshrl.u32 v2, $0x3;
	s5 =	simm.s32 $0x2;
	s6 =	simm.s32 $0x100;
	[dreg:$0x4] =	wrdreg s1  }
0x16: {  	v0 =	vand.u32 $0x7, v2;
	v2 =	vor.u32 $0x8, v2;
	v1 =	vmul.u32 $0x8, v1;
	[dreg:$0x5] =	wrdreg s18;
	s18 =	simm.s32 $0x9900;
	s1 =	simm.s32 $0x1  }
.LBB2_1:
0x17: {  	s0 =	rddreg [dreg:$0x4]  }
0x18: {  	[tilespmem:s3], [sflag:$0x2] =	stream.linear.gather [hbm4b:s0+s3], $0x100, $0x38;
	[tilespmem:$0x10100] =	vst v63  }
0x19: {  	_ =	swait.ge [sflag:s5], $0x100  }
0x1a: {  	[sflag:s5] =	ssyncset.done $0x0  }
0x1b: {  	[sflag:s5] =	ssyncadd.s32 $0xFFFFFF00  }
0x1c: {  	v3 =	vld [tilespmem:$0x0];
	_ =	sdelay $0x4  }
0x1d: {  	v4 =	vshll.u32 v3, $0x1  }
0x1e: {  	v3 =	vand.u32 $0x7, v3;
	v4 =	vand.u32 $0xFFFFFFF0, v4  }
0x1f: {  	v3 =	vor.u32 v3, v4  }
0x20: {  	v4 =	vperm.xlane v3, v0;
	_ =	sdelay $0x1  }
0x21: {  	v3 =	vperm.xlane v3, v2;
	v4 =	vadd.s32 v1, v4;
	_ =	sdelay $0x1  }
0x22: {  	v3 =	vadd.s32 v1, v3;
	_ =	sdelay $0x2  }
0x23: {  	[tilespmem:s6], [sflag:$0x1] =	stream.indirect_vreg.gather [hbm4b:s2+s3], $0x80, v4, vm0, $0xb8;
	[tilespmem:$0x10100] =	vst v63  }
0x24: {  	s7 =	rddreg [dreg:$0x6]  }
0x25: {  	[tilespmem:s7], [sflag:$0x1] =	stream.indirect_vreg.gather [hbm4b:s2+s3], $0x80, v3, vm0, $0xb8;
	[tilespmem:$0x10100] =	vst v63  }
0x26: {  	v3 =	vld [tilespmem:$0x10];
	_ =	sdelay $0x4  }
0x27: {  	v49 =	vshll.u32 v3, $0x1  }
0x28: {  	v3 =	vand.u32 $0x7, v3;
	v4 =	vand.u32 $0xFFFFFFF0, v49  }
0x29: {  	v3 =	vor.u32 v3, v4  }
0x2a: {  	v4 =	vperm.xlane v3, v0;
	_ =	sdelay $0x1  }
0x2b: {  	v3 =	vperm.xlane v3, v2;
	v4 =	vadd.s32 v1, v4;
	_ =	sdelay $0x1  }
0x2c: {  	v3 =	vadd.s32 v1, v3;
	_ =	sdelay $0x1  }
0x2d: {  	s0 =	rddreg [dreg:$0x7]  }
0x2e: {  	[tilespmem:s0], [sflag:$0x1] =	stream.indirect_vreg.gather [hbm4b:s2+s3], $0x80, v4, vm0, $0xb8;
	[tilespmem:$0x10100] =	vst v63  }
0x2f: {  	s7 =	rddreg [dreg:$0x8]  }
0x30: {  	[tilespmem:s7], [sflag:$0x1] =	stream.indirect_vreg.gather [hbm4b:s2+s3], $0x80, v3, vm0, $0xb8;
	[tilespmem:$0x10100] =	vst v63  }
0x31: {  	v3 =	vld [tilespmem:$0x20];
	_ =	sdelay $0x4  }
0x32: {  	v50 =	vshll.u32 v3, $0x1  }
0x33: {  	v3 =	vand.u32 $0x7, v3;
	v4 =	vand.u32 $0xFFFFFFF0, v50  }
0x34: {  	v3 =	vor.u32 v3, v4  }
0x35: {  	v4 =	vperm.xlane v3, v0;
	_ =	sdelay $0x1  }
0x36: {  	v3 =	vperm.xlane v3, v2;
	v4 =	vadd.s32 v1, v4;
	_ =	sdelay $0x1  }
0x37: {  	v3 =	vadd.s32 v1, v3;
	_ =	sdelay $0x1  }
0x38: {  	s0 =	rddreg [dreg:$0x9]  }
0x39: {  	[tilespmem:s0], [sflag:$0x1] =	stream.indirect_vreg.gather [hbm4b:s2+s3], $0x80, v4, vm0, $0xb8;
	[tilespmem:$0x10100] =	vst v63  }
0x3a: {  	s7 =	rddreg [dreg:$0xa]  }
0x3b: {  	[tilespmem:s7], [sflag:$0x1] =	stream.indirect_vreg.gather [hbm4b:s2+s3], $0x80, v3, vm0, $0xb8;
	[tilespmem:$0x10100] =	vst v63  }
0x3c: {  	v3 =	vld [tilespmem:$0x30];
	_ =	sdelay $0x4  }
0x3d: {  	v51 =	vshll.u32 v3, $0x1  }
0x3e: {  	v3 =	vand.u32 $0x7, v3;
	v4 =	vand.u32 $0xFFFFFFF0, v51  }
0x3f: {  	v3 =	vor.u32 v3, v4  }
0x40: {  	v4 =	vperm.xlane v3, v0;
	_ =	sdelay $0x1  }
0x41: {  	v3 =	vperm.xlane v3, v2;
	v4 =	vadd.s32 v1, v4;
	_ =	sdelay $0x1  }
0x42: {  	v3 =	vadd.s32 v1, v3;
	_ =	sdelay $0x1  }
0x43: {  	s0 =	rddreg [dreg:$0xb]  }
0x44: {  	[tilespmem:s0], [sflag:$0x1] =	stream.indirect_vreg.gather [hbm4b:s2+s3], $0x80, v4, vm0, $0xb8;
	[tilespmem:$0x10100] =	vst v63  }
0x45: {  	s7 =	rddreg [dreg:$0xc]  }
0x46: {  	[tilespmem:s7], [sflag:$0x1] =	stream.indirect_vreg.gather [hbm4b:s2+s3], $0x80, v3, vm0, $0xb8;
	[tilespmem:$0x10100] =	vst v63  }
0x47: {  	v3 =	vld [tilespmem:$0x40];
	_ =	sdelay $0x4  }
0x48: {  	v52 =	vshll.u32 v3, $0x1  }
0x49: {  	v3 =	vand.u32 $0x7, v3;
	v4 =	vand.u32 $0xFFFFFFF0, v52  }
0x4a: {  	v3 =	vor.u32 v3, v4  }
0x4b: {  	v4 =	vperm.xlane v3, v0;
	_ =	sdelay $0x1  }
0x4c: {  	v3 =	vperm.xlane v3, v2;
	v4 =	vadd.s32 v1, v4;
	_ =	sdelay $0x1  }
0x4d: {  	v3 =	vadd.s32 v1, v3;
	_ =	sdelay $0x1  }
0x4e: {  	s7 =	simm.s32 $0x4100  }
0x4f: {  	[tilespmem:s7], [sflag:$0x1] =	stream.indirect_vreg.gather [hbm4b:s2+s3], $0x80, v4, vm0, $0xb8;
	[tilespmem:$0x10100] =	vst v63  }
0x50: {  	_ = 	snop  }
0x51: {  	[tilespmem:s8], [sflag:$0x1] =	stream.indirect_vreg.gather [hbm4b:s2+s3], $0x80, v3, vm0, $0xb8;
	[tilespmem:$0x10100] =	vst v63  }
0x52: {  	v3 =	vld [tilespmem:$0x50];
	_ =	sdelay $0x4  }
0x53: {  	v53 =	vshll.u32 v3, $0x1  }
0x54: {  	v3 =	vand.u32 $0x7, v3;
	v4 =	vand.u32 $0xFFFFFFF0, v53  }
0x55: {  	v3 =	vor.u32 v3, v4  }
0x56: {  	v4 =	vperm.xlane v3, v0;
	_ =	sdelay $0x1  }
0x57: {  	v3 =	vperm.xlane v3, v2;
	v4 =	vadd.s32 v1, v4;
	_ =	sdelay $0x1  }
0x58: {  	v3 =	vadd.s32 v1, v3;
	_ =	sdelay $0x2  }
0x59: {  	[tilespmem:s9], [sflag:$0x1] =	stream.indirect_vreg.gather [hbm4b:s2+s3], $0x80, v4, vm0, $0xb8;
	[tilespmem:$0x10100] =	vst v63  }
0x5a: {  	_ = 	snop  }
0x5b: {  	[tilespmem:s10], [sflag:$0x1] =	stream.indirect_vreg.gather [hbm4b:s2+s3], $0x80, v3, vm0, $0xb8;
	[tilespmem:$0x10100] =	vst v63  }
0x5c: {  	v3 =	vld [tilespmem:$0x60];
	_ =	sdelay $0x4  }
0x5d: {  	v54 =	vshll.u32 v3, $0x1  }
0x5e: {  	v3 =	vand.u32 $0x7, v3;
	v4 =	vand.u32 $0xFFFFFFF0, v54  }
0x5f: {  	v3 =	vor.u32 v3, v4  }
0x60: {  	v4 =	vperm.xlane v3, v0;
	_ =	sdelay $0x1  }
0x61: {  	v3 =	vperm.xlane v3, v2;
	v4 =	vadd.s32 v1, v4;
	_ =	sdelay $0x1  }
0x62: {  	v3 =	vadd.s32 v1, v3;
	_ =	sdelay $0x2  }
0x63: {  	[tilespmem:s11], [sflag:$0x1] =	stream.indirect_vreg.gather [hbm4b:s2+s3], $0x80, v4, vm0, $0xb8;
	[tilespmem:$0x10100] =	vst v63  }
0x64: {  	_ = 	snop  }
0x65: {  	[tilespmem:s12], [sflag:$0x1] =	stream.indirect_vreg.gather [hbm4b:s2+s3], $0x80, v3, vm0, $0xb8;
	[tilespmem:$0x10100] =	vst v63  }
0x66: {  	v3 =	vld [tilespmem:$0x70];
	_ =	sdelay $0x4  }
0x67: {  	v55 =	vshll.u32 v3, $0x1  }
0x68: {  	v3 =	vand.u32 $0x7, v3;
	v4 =	vand.u32 $0xFFFFFFF0, v55  }
0x69: {  	v3 =	vor.u32 v3, v4  }
0x6a: {  	v4 =	vperm.xlane v3, v0;
	_ =	sdelay $0x1  }
0x6b: {  	v3 =	vperm.xlane v3, v2;
	v4 =	vadd.s32 v1, v4;
	_ =	sdelay $0x1  }
0x6c: {  	v3 =	vadd.s32 v1, v3;
	_ =	sdelay $0x2  }
0x6d: {  	[tilespmem:s13], [sflag:$0x1] =	stream.indirect_vreg.gather [hbm4b:s2+s3], $0x80, v4, vm0, $0xb8;
	[tilespmem:$0x10100] =	vst v63  }
0x6e: {  	_ = 	snop  }
0x6f: {  	[tilespmem:s14], [sflag:$0x1] =	stream.indirect_vreg.gather [hbm4b:s2+s3], $0x80, v3, vm0, $0xb8;
	[tilespmem:$0x10100] =	vst v63  }
0x70: {  	v3 =	vld [tilespmem:$0x80];
	_ =	sdelay $0x4  }
0x71: {  	v56 =	vshll.u32 v3, $0x1  }
0x72: {  	v3 =	vand.u32 $0x7, v3;
	v4 =	vand.u32 $0xFFFFFFF0, v56  }
0x73: {  	v3 =	vor.u32 v3, v4  }
0x74: {  	v4 =	vperm.xlane v3, v0;
	_ =	sdelay $0x1  }
0x75: {  	v3 =	vperm.xlane v3, v2;
	v4 =	vadd.s32 v1, v4;
	_ =	sdelay $0x1  }
0x76: {  	v3 =	vadd.s32 v1, v3;
	_ =	sdelay $0x2  }
0x77: {  	[tilespmem:s15], [sflag:$0x1] =	stream.indirect_vreg.gather [hbm4b:s2+s3], $0x80, v4, vm0, $0xb8;
	[tilespmem:$0x10100] =	vst v63  }
0x78: {  	_ = 	snop  }
0x79: {  	[tilespmem:s16], [sflag:$0x1] =	stream.indirect_vreg.gather [hbm4b:s2+s3], $0x80, v3, vm0, $0xb8;
	[tilespmem:$0x10100] =	vst v63  }
0x7a: {  	v3 =	vld [tilespmem:$0x90];
	_ =	sdelay $0x4  }
0x7b: {  	v57 =	vshll.u32 v3, $0x1  }
0x7c: {  	v3 =	vand.u32 $0x7, v3;
	v4 =	vand.u32 $0xFFFFFFF0, v57  }
0x7d: {  	v3 =	vor.u32 v3, v4  }
0x7e: {  	v4 =	vperm.xlane v3, v0;
	_ =	sdelay $0x1  }
0x7f: {  	v3 =	vperm.xlane v3, v2;
	v4 =	vadd.s32 v1, v4;
	_ =	sdelay $0x1  }
0x80: {  	v3 =	vadd.s32 v1, v3;
	_ =	sdelay $0x2  }
0x81: {  	[tilespmem:s17], [sflag:$0x1] =	stream.indirect_vreg.gather [hbm4b:s2+s3], $0x80, v4, vm0, $0xb8;
	[tilespmem:$0x10100] =	vst v63  }
0x82: {  	_ = 	snop  }
0x83: {  	[tilespmem:s18], [sflag:$0x1] =	stream.indirect_vreg.gather [hbm4b:s2+s3], $0x80, v3, vm0, $0xb8;
	[tilespmem:$0x10100] =	vst v63  }
0x84: {  	v3 =	vld [tilespmem:$0xA0];
	_ =	sdelay $0x4  }
0x85: {  	v58 =	vshll.u32 v3, $0x1  }
0x86: {  	v3 =	vand.u32 $0x7, v3;
	v4 =	vand.u32 $0xFFFFFFF0, v58  }
0x87: {  	v3 =	vor.u32 v3, v4  }
0x88: {  	v4 =	vperm.xlane v3, v0;
	_ =	sdelay $0x1  }
0x89: {  	v3 =	vperm.xlane v3, v2;
	v4 =	vadd.s32 v1, v4;
	_ =	sdelay $0x1  }
0x8a: {  	v3 =	vadd.s32 v1, v3;
	_ =	sdelay $0x2  }
0x8b: {  	[tilespmem:s19], [sflag:$0x1] =	stream.indirect_vreg.gather [hbm4b:s2+s3], $0x80, v4, vm0, $0xb8;
	[tilespmem:$0x10100] =	vst v63  }
0x8c: {  	_ = 	snop  }
0x8d: {  	[tilespmem:s20], [sflag:$0x1] =	stream.indirect_vreg.gather [hbm4b:s2+s3], $0x80, v3, vm0, $0xb8;
	[tilespmem:$0x10100] =	vst v63  }
0x8e: {  	v3 =	vld [tilespmem:$0xB0];
	_ =	sdelay $0x4  }
0x8f: {  	v59 =	vshll.u32 v3, $0x1  }
0x90: {  	v3 =	vand.u32 $0x7, v3;
	v4 =	vand.u32 $0xFFFFFFF0, v59  }
0x91: {  	v3 =	vor.u32 v3, v4  }
0x92: {  	v4 =	vperm.xlane v3, v0;
	_ =	sdelay $0x1  }
0x93: {  	v3 =	vperm.xlane v3, v2;
	v4 =	vadd.s32 v1, v4;
	_ =	sdelay $0x1  }
0x94: {  	v3 =	vadd.s32 v1, v3;
	_ =	sdelay $0x2  }
0x95: {  	[tilespmem:s21], [sflag:$0x1] =	stream.indirect_vreg.gather [hbm4b:s2+s3], $0x80, v4, vm0, $0xb8;
	[tilespmem:$0x10100] =	vst v63  }
0x96: {  	_ = 	snop  }
0x97: {  	[tilespmem:s22], [sflag:$0x1] =	stream.indirect_vreg.gather [hbm4b:s2+s3], $0x80, v3, vm0, $0xb8;
	[tilespmem:$0x10100] =	vst v63  }
0x98: {  	v3 =	vld [tilespmem:$0xC0];
	_ =	sdelay $0x4  }
0x99: {  	v60 =	vshll.u32 v3, $0x1  }
0x9a: {  	v3 =	vand.u32 $0x7, v3;
	v4 =	vand.u32 $0xFFFFFFF0, v60  }
0x9b: {  	v3 =	vor.u32 v3, v4  }
0x9c: {  	v4 =	vperm.xlane v3, v0;
	_ =	sdelay $0x1  }
0x9d: {  	v3 =	vperm.xlane v3, v2;
	v4 =	vadd.s32 v1, v4;
	_ =	sdelay $0x1  }
0x9e: {  	v3 =	vadd.s32 v1, v3;
	_ =	sdelay $0x2  }
0x9f: {  	[tilespmem:s23], [sflag:$0x1] =	stream.indirect_vreg.gather [hbm4b:s2+s3], $0x80, v4, vm0, $0xb8;
	[tilespmem:$0x10100] =	vst v63  }
0xa0: {  	_ = 	snop  }
0xa1: {  	[tilespmem:s24], [sflag:$0x1] =	stream.indirect_vreg.gather [hbm4b:s2+s3], $0x80, v3, vm0, $0xb8;
	[tilespmem:$0x10100] =	vst v63  }
0xa2: {  	v3 =	vld [tilespmem:$0xD0];
	_ =	sdelay $0x4  }
0xa3: {  	v61 =	vshll.u32 v3, $0x1  }
0xa4: {  	v3 =	vand.u32 $0x7, v3;
	v4 =	vand.u32 $0xFFFFFFF0, v61  }
0xa5: {  	v3 =	vor.u32 v3, v4  }
0xa6: {  	v4 =	vperm.xlane v3, v0;
	_ =	sdelay $0x1  }
0xa7: {  	v3 =	vperm.xlane v3, v2;
	v4 =	vadd.s32 v1, v4;
	_ =	sdelay $0x1  }
0xa8: {  	v3 =	vadd.s32 v1, v3;
	_ =	sdelay $0x2  }
0xa9: {  	[tilespmem:s25], [sflag:$0x1] =	stream.indirect_vreg.gather [hbm4b:s2+s3], $0x80, v4, vm0, $0xb8;
	[tilespmem:$0x10100] =	vst v63  }
0xaa: {  	_ = 	snop  }
0xab: {  	[tilespmem:s26], [sflag:$0x1] =	stream.indirect_vreg.gather [hbm4b:s2+s3], $0x80, v3, vm0, $0xb8;
	[tilespmem:$0x10100] =	vst v63  }
0xac: {  	v3 =	vld [tilespmem:$0xE0];
	_ =	sdelay $0x4  }
0xad: {  	v62 =	vshll.u32 v3, $0x1  }
0xae: {  	v3 =	vand.u32 $0x7, v3;
	v4 =	vand.u32 $0xFFFFFFF0, v62  }
0xaf: {  	v3 =	vor.u32 v3, v4  }
0xb0: {  	v4 =	vperm.xlane v3, v0;
	_ =	sdelay $0x1  }
0xb1: {  	v3 =	vperm.xlane v3, v2;
	v4 =	vadd.s32 v1, v4;
	_ =	sdelay $0x1  }
0xb2: {  	v3 =	vadd.s32 v1, v3;
	_ =	sdelay $0x2  }
0xb3: {  	[tilespmem:s28], [sflag:$0x1] =	stream.indirect_vreg.gather [hbm4b:s2+s3], $0x80, v4, vm0, $0xb8;
	[tilespmem:$0x10100] =	vst v63  }
0xb4: {  	_ = 	snop  }
0xb5: {  	[tilespmem:s29], [sflag:$0x1] =	stream.indirect_vreg.gather [hbm4b:s2+s3], $0x80, v3, vm0, $0xb8;
	[tilespmem:$0x10100] =	vst v63  }
0xb6: {  	v3 =	vld [tilespmem:$0xF0];
	_ =	sdelay $0x4  }
0xb7: {  	v63 =	vshll.u32 v3, $0x1  }
0xb8: {  	v3 =	vand.u32 $0x7, v3;
	v4 =	vand.u32 $0xFFFFFFF0, v63  }
0xb9: {  	v3 =	vor.u32 v3, v4  }
0xba: {  	v4 =	vperm.xlane v3, v0;
	_ =	sdelay $0x1  }
0xbb: {  	v3 =	vperm.xlane v3, v2;
	v4 =	vadd.s32 v1, v4;
	_ =	sdelay $0x1  }
0xbc: {  	v3 =	vadd.s32 v1, v3;
	_ =	sdelay $0x2  }
0xbd: {  	[tilespmem:s30], [sflag:$0x1] =	stream.indirect_vreg.gather [hbm4b:s2+s3], $0x80, v4, vm0, $0xb8;
	[tilespmem:$0x10100] =	vst v63  }
0xbe: {  	_ = 	snop  }
0xbf: {  	[tilespmem:s31], [sflag:$0x1] =	stream.indirect_vreg.gather [hbm4b:s2+s3], $0x80, v3, vm0, $0xb8;
	[tilespmem:$0x10100] =	vst v63  }
0xc0: {  	_ =	swait.ge [sflag:s1], $0x8000  }
0xc1: {  	[sflag:s1] =	ssyncset.done $0x0  }
0xc2: {  	[sflag:s1] =	ssyncadd.s32 $0xFFFF8000  }
0xc3: {  	_ =	swait.ge [sflag:s1], $0x8000  }
0xc4: {  	p0 =	sne.s32 s4, $0x1;
	[sflag:s1] =	ssyncset.done $0x0  }
.Ltmp0:
0xc5: {  	s7 =	rddreg [dreg:$0x5];
	[sflag:s1] =	ssyncadd.s32 $0xFFFF8000;
	(pc) =	sbr.rel @p0 .LBB2_1-.Ltmp0, $4  }
0xc6: {  	[hbm4b:s7+s3] =	stream.linear.scatter [tilespmem:s6], [sflag:$0x2], $0x10000, $0x38;
	[tilespmem:$0x10100] =	vst v63  }
0xc7: {  	_ =	swait.ge [sflag:s5], $0x10000  }
0xc8: {  	[sflag:s5] =	ssyncset.done $0x0  }
0xc9: {  	s4 =	sadd.s32 $0xFFFFFFFF, s4;
	[sflag:s5] =	ssyncadd.s32 $0xFFFF0000  }
0xca: {  	_ =	sfence.sel $0x180000  }
0xcb: {  	[bflag:$0x0] =	sbarrier.arrive $0xFFFF  }
0xcc: {  	_ =	strace $0x90000047  }
0xcd: {  	s0 =	stileid.u32;
	[bflag:$0x2] =	sbarrier.arrive $0xFFFF  }
0xce: {  	p0 =	sne.s32 s0, $0x0;
	s0 =	rddreg [dreg:$0x3]  }
0xcf: {  	s0 =	sadd.s32 @!p0 $0x100000, s0  }
0xd0: {  	[sflag:s0] =	ssyncadd.tile.s32 @!p0 $0x1;
	_ =	shalt  }
.Lfunc_end2:
_tile_overlayer_lowered:
.L_overlay_start_2:
0xd1: {  	(tag) =	ssettag $0x2  }
0xd2: {  	s0 =	rddreg [dreg:$0x0];
	s2 =	stileid.u32  }
0xd3: {  	s1 =	rddreg [dreg:$0x1];
	p0 =	sne.s32 s2, $0x0  }
0xd4: {  	s3 =	rddreg [dreg:$0x2];
	[bflag:$0x3] =	sbarrier.arrive $0xFFFF;
	s2 =	simm.s32 @!p0 $0x1C02  }
0xd5: {  	[timem:s3], [sflag:s2] =	dma.local @!p0 [hbm:s0], s1  }
0xd6: {  	s0 =	simm.s32 @!p0 $0x2  }
0xd7: {  	_ =	swait.ge @!p0 [sflag:s0], s1  }
0xd8: {  	s1 =	ssub.s32 @!p0 $0x0, s1;
	[sflag:s0] =	ssyncset.done @!p0 $0x0  }
0xd9: {  	[sflag:s0] =	ssyncadd.s32 @!p0 s1  }
0xda: {  	[bflag:$0x3] =	sbarrier.arrive $0xFFFF  }
0xdb: {  	_ =	shalt  }

</sc_bundles>
